<compile_context>
chip_gen: v7x
topology: tpu7x:2x2x1
jax: 0.10.2.dev20260603
libtpu: 0.0.44.dev20260713+nightly
codegen_flags: <defaults>
</compile_context>

<pallas_src>
import functools

import jax
import jax.numpy as jnp
from jax import lax
from jax.experimental import pallas as pl
from jax.experimental.pallas import tpu as pltpu
from jax.experimental.pallas import tpu_sc as plsc

EMBED_DIM = 128
NODE_DIM = 128
EDGE_DIM = 16
MAX_NODES = 100000
BATCH = 16384

NC = 2
NS = 16
NW = NC * NS
B_PER_W = BATCH // NW
CHUNK = 128
NCHUNK = B_PER_W // CHUNK

MLP_BLOCK = 8192
MLP_STEPS = BATCH // MLP_BLOCK


def _gather_sc(idx, table):
    mesh = plsc.VectorSubcoreMesh(core_axis_name="c", subcore_axis_name="s")

    @functools.partial(
        pl.kernel,
        mesh=mesh,
        out_type=jax.ShapeDtypeStruct((BATCH, EMBED_DIM), jnp.float32),
        scratch_types=[
            pltpu.VMEM((B_PER_W,), jnp.int32),
            pltpu.VMEM((B_PER_W, EMBED_DIM), jnp.float32),
            pltpu.SemaphoreType.DMA,
            pltpu.SemaphoreType.DMA,
        ],
    )
    def gather_kernel(idx_hbm, table_hbm, out_hbm, idx_v, rows_v, gsem, wsem):
        wid = lax.axis_index("s") * NC + lax.axis_index("c")
        pltpu.sync_copy(idx_hbm.at[pl.ds(wid * B_PER_W, B_PER_W)], idx_v)

        def fire_gather(j):
            pltpu.async_copy(
                table_hbm.at[idx_v.at[pl.ds(j * CHUNK, CHUNK)]],
                rows_v.at[pl.ds(j * CHUNK, CHUNK)],
                gsem,
            )

        fire_gather(0)
        fire_gather(1)

        def step(j, carry):
            @pl.when(j + 2 < NCHUNK)
            def _():
                fire_gather(j + 2)

            pltpu.make_async_copy(
                table_hbm.at[idx_v.at[pl.ds(j * CHUNK, CHUNK)]],
                rows_v.at[pl.ds(j * CHUNK, CHUNK)],
                gsem,
            ).wait()
            pltpu.async_copy(
                rows_v.at[pl.ds(j * CHUNK, CHUNK)],
                out_hbm.at[pl.ds(wid * B_PER_W + j * CHUNK, CHUNK)],
                wsem,
            )
            return carry

        lax.fori_loop(0, NCHUNK, step, 0, unroll=False)
        pltpu.make_async_copy(rows_v, out_hbm.at[pl.ds(wid * B_PER_W, B_PER_W)], wsem).wait()

    return gather_kernel(idx, table)


def _mlp_body(emb_hbm, w1_ref, b1_ref, wn_ref, bn_ref, wet_ref, bet_ref,
              on_hbm, oet_hbm):
    def inner(emb_blk, on_blk, oet_blk):
        h = jnp.dot(emb_blk[...], w1_ref[...], preferred_element_type=jnp.float32)
        h = jax.nn.gelu(h + b1_ref[...])
        on_blk[...] = jnp.dot(h, wn_ref[...], preferred_element_type=jnp.float32) + bn_ref[...]
        ht = jnp.transpose(h)
        oet_blk[...] = jnp.dot(wet_ref[...], ht, preferred_element_type=jnp.float32) + bet_ref[...]

    pltpu.emit_pipeline(
        inner,
        grid=(MLP_STEPS,),
        in_specs=[pl.BlockSpec((MLP_BLOCK, EMBED_DIM), lambda i: (i, 0))],
        out_specs=[
            pl.BlockSpec((MLP_BLOCK, NODE_DIM), lambda i: (i, 0)),
            pl.BlockSpec((EDGE_DIM, MLP_BLOCK), lambda i: (0, i)),
        ],
    )(emb_hbm, on_hbm, oet_hbm)


def _mlp_tc(emb, W1, b1, Wn, bn, We, be):
    hbm = pltpu.MemorySpace.HBM
    vmem = pltpu.MemorySpace.VMEM
    return pl.pallas_call(
        _mlp_body,
        in_specs=[pl.BlockSpec(memory_space=hbm)]
        + [pl.BlockSpec(memory_space=vmem)] * 6,
        out_specs=[
            pl.BlockSpec(memory_space=hbm),
            pl.BlockSpec(memory_space=hbm),
        ],
        out_shape=[
            jax.ShapeDtypeStruct((BATCH, NODE_DIM), jnp.float32),
            jax.ShapeDtypeStruct((EDGE_DIM, BATCH), jnp.float32),
        ],
    )(pltpu.with_memory_space_constraint(emb, hbm),
      W1, b1.reshape(1, -1), Wn, bn.reshape(1, -1),
      We.T, be.reshape(-1, 1))


def kernel(n_nodes, table, W1, b1, Wn, bn, We, be):
    emb = _gather_sc(n_nodes, table)
    out_nodes, out_edges_t = _mlp_tc(emb, W1, b1, Wn, bn, We, be)
    return (out_nodes, out_edges_t.T)

# --- scband reference (transcript-rebuilt; emitter-appended) ---
"""Pipeline reference for scband-node-count-embedding-6545530159196 (READ-ONLY COPY).

The authoritative reference and input builder live on the scoring server;
editing this copy changes nothing except your own understanding.
"""

import jax, jax.numpy as jnp
import numpy as np

EMBED_DIM = 128
NODE_DIM = 128
EDGE_DIM = 16
MAX_NODES = 100000
BATCH = 16384


def setup_inputs(seed: int = 0) -> dict:
    key = jax.random.key(seed)
    ks = jax.random.split(key, 8)
    n_nodes = jax.random.randint(ks[0], (BATCH,), 0, MAX_NODES + 1, dtype=jnp.int32)
    table = jax.random.normal(ks[1], (MAX_NODES + 1, EMBED_DIM), dtype=jnp.float32) * 0.02
    W1 = jax.random.normal(ks[2], (EMBED_DIM, EMBED_DIM), dtype=jnp.float32) * (1.0 / np.sqrt(EMBED_DIM))
    b1 = jnp.zeros((EMBED_DIM,), dtype=jnp.float32)
    Wn = jax.random.normal(ks[3], (EMBED_DIM, NODE_DIM), dtype=jnp.float32) * (1.0 / np.sqrt(EMBED_DIM))
    bn = jnp.zeros((NODE_DIM,), dtype=jnp.float32)
    We = jax.random.normal(ks[4], (EMBED_DIM, EDGE_DIM), dtype=jnp.float32) * (1.0 / np.sqrt(EMBED_DIM))
    be = jnp.zeros((EDGE_DIM,), dtype=jnp.float32)
    return {"n_nodes": n_nodes, "table": table, "W1": W1, "b1": b1, "Wn": Wn, "bn": bn, "We": We, "be": be}


def reference(n_nodes, table, W1, b1, Wn, bn, We, be):
    idx = jnp.clip(n_nodes.astype(jnp.int32), 0, MAX_NODES)
    emb = jnp.take(table, idx, axis=0)
    h = jax.nn.gelu(emb @ W1 + b1)
    out_nodes = h @ Wn + bn
    out_edges = h @ We + be
    return (out_nodes, out_edges)

if __name__ == "__main__":
    import jax
    _d = setup_inputs()
    print(jax.jit(kernel)(*tuple(_d.values())))

</pallas_src>

<mosaic_0001>
#map = affine_map<(d0, d1) -> (0)>
#map1 = affine_map<(d0, d1) -> (0, 0)>
module attributes {stable_mosaic.version = 14 : i64} {
  func.func @gather_kernel(%arg0: i32, %arg1: i32, %arg2: memref<16384xi32, #tpu.memory_space<hbm>>, %arg3: memref<100001x128xf32, #tpu.memory_space<hbm>>, %arg4: memref<16384x128xf32, #tpu.memory_space<hbm>>, %arg5: memref<512xi32, #tpu.memory_space<vmem>>, %arg6: memref<512x128xf32, #tpu.memory_space<vmem>>, %arg7: memref<!tpu.dma_semaphore, #tpu.memory_space<semaphore_mem>>, %arg8: memref<!tpu.dma_semaphore, #tpu.memory_space<semaphore_mem>>) attributes {dimension_semantics = [#tpu.dimension_semantics<core_parallel>, #tpu.dimension_semantics<subcore_parallel>], iteration_bounds = array<i64: 2, 16>, scalar_prefetch = 0 : i64, scratch_operands = 4 : i64, tpu.core_type = #tpu.core_type<sc_vector_subcore>, window_params = [{transform_indices = #map}, {transform_indices = #map1}, {transform_indices = #map1}]} {
    %mul3A = arith.constant 2 : i32
    %mul3A_0 = arith.muli %arg1, %mul3A : i32
    %add3A = arith.addi %mul3A_0, %arg0 : i32
    %mul3A_1 = arith.constant 512 : i32
    %mul3A_2 = arith.muli %add3A, %mul3A_1 : i32
    "tpu.region"() ({
      %run_scoped3A = tpu.sem_alloc : memref<!tpu.dma_semaphore, #tpu.memory_space<semaphore_mem>>
      %dma_start3A_28 = tpu.memref_slice %arg2[%mul3A_2] : memref<16384xi32, #tpu.memory_space<hbm>> -> memref<512xi32, #tpu.memory_space<hbm>>
      %dma_start3A_29 = tpu.memref_slice %arg2[%mul3A_2] : memref<16384xi32, #tpu.memory_space<hbm>> -> memref<512xi32, #tpu.memory_space<hbm>>
      tpu.enqueue_dma source(%dma_start3A_29 : memref<512xi32, #tpu.memory_space<hbm>>) target(%arg5 : memref<512xi32, #tpu.memory_space<vmem>>) target_semaphore(%run_scoped3A : memref<!tpu.dma_semaphore, #tpu.memory_space<semaphore_mem>>)
      %dma_wait3A_30 = tpu.memref_slice %arg2[%mul3A_2] : memref<16384xi32, #tpu.memory_space<hbm>> -> memref<512xi32, #tpu.memory_space<hbm>>
      %dma_wait3A_31 = tpu.memref_slice %arg2[%mul3A_2] : memref<16384xi32, #tpu.memory_space<hbm>> -> memref<512xi32, #tpu.memory_space<hbm>>
      tpu.wait_dma2 semaphore(%run_scoped3A : memref<!tpu.dma_semaphore, #tpu.memory_space<semaphore_mem>>) src(%dma_wait3A_31 : memref<512xi32, #tpu.memory_space<hbm>>) dst(%arg5 : memref<512xi32, #tpu.memory_space<vmem>>)
      tpu.yield
    }) : () -> ()
    %dma_start3A = arith.constant 0 : i32
    %dma_start3A_3 = arith.constant 0 : i32
    %dma_start3A_4 = tpu.memref_slice %arg6[%dma_start3A, %dma_start3A_3] : memref<512x128xf32, #tpu.memory_space<vmem>> -> memref<128x128xf32, #tpu.memory_space<vmem>>
    %dma_start3A_5 = arith.constant 0 : i32
    %dma_start3A_6 = tpu.memref_slice %arg5[%dma_start3A_5] : memref<512xi32, #tpu.memory_space<vmem>> -> memref<128xi32, #tpu.memory_space<vmem>>
    %dma_start3A_7 = arith.constant 0 : i32
    %dma_start3A_8 = arith.constant 0 : i32
    %dma_start3A_9 = tpu.memref_slice %arg3[%dma_start3A_7, %dma_start3A_8] : memref<100001x128xf32, #tpu.memory_space<hbm>> -> memref<100001x128xf32, #tpu.memory_space<hbm>>
    tpu.enqueue_indirect_dma source(%dma_start3A_9 : memref<100001x128xf32, #tpu.memory_space<hbm>>) target(%dma_start3A_4 : memref<128x128xf32, #tpu.memory_space<vmem>>) offsets(%dma_start3A_6 : memref<128xi32, #tpu.memory_space<vmem>>) semaphore(%arg7 : memref<!tpu.dma_semaphore, #tpu.memory_space<semaphore_mem>>)
    %dma_start3A_10 = arith.constant 128 : i32
    %dma_start3A_11 = arith.constant 0 : i32
    %dma_start3A_12 = tpu.memref_slice %arg6[%dma_start3A_10, %dma_start3A_11] : memref<512x128xf32, #tpu.memory_space<vmem>> -> memref<128x128xf32, #tpu.memory_space<vmem>>
    %dma_start3A_13 = arith.constant 128 : i32
    %dma_start3A_14 = tpu.memref_slice %arg5[%dma_start3A_13] : memref<512xi32, #tpu.memory_space<vmem>> -> memref<128xi32, #tpu.memory_space<vmem>>
    %dma_start3A_15 = arith.constant 0 : i32
    %dma_start3A_16 = arith.constant 0 : i32
    %dma_start3A_17 = tpu.memref_slice %arg3[%dma_start3A_15, %dma_start3A_16] : memref<100001x128xf32, #tpu.memory_space<hbm>> -> memref<100001x128xf32, #tpu.memory_space<hbm>>
    tpu.enqueue_indirect_dma source(%dma_start3A_17 : memref<100001x128xf32, #tpu.memory_space<hbm>>) target(%dma_start3A_12 : memref<128x128xf32, #tpu.memory_space<vmem>>) offsets(%dma_start3A_14 : memref<128xi32, #tpu.memory_space<vmem>>) semaphore(%arg7 : memref<!tpu.dma_semaphore, #tpu.memory_space<semaphore_mem>>)
    %scan3A = arith.constant 0 : i32
    %scan3A_18 = arith.constant 0 : i32
    %scan3A_19 = arith.constant 4 : i32
    %scan3A_20 = arith.addi %scan3A_18, %scan3A_19 : i32
    %scan3A_21 = arith.constant 1 : i32
    scf.for %scan3A_28 = %scan3A_18 to %scan3A_20 step %scan3A_21  : i32 {
      %add3A_29 = arith.constant 2 : i32
      %add3A_30 = arith.addi %scan3A_28, %add3A_29 : i32
      %lt3A = arith.constant 4 : i32
      %lt3A_31 = arith.cmpi slt, %add3A_30, %lt3A : i32
      %convert_element_type3A = arith.extui %lt3A_31 : i1 to i32
      %cond3A = arith.constant 0 : i32
      %cond3A_32 = arith.cmpi ne, %convert_element_type3A, %cond3A : i32
      scf.if %cond3A_32 {
        %add3A_58 = arith.constant 2 : i32
        %add3A_59 = arith.addi %scan3A_28, %add3A_58 : i32
        %mul3A_60 = arith.constant 128 : i32
        %mul3A_61 = arith.muli %add3A_59, %mul3A_60 : i32
        %mul3A_62 = arith.constant 128 : i32
        %mul3A_63 = arith.muli %add3A_59, %mul3A_62 : i32
        %dma_start3A_64 = arith.constant 0 : i32
        %dma_start3A_65 = tpu.memref_slice %arg6[%mul3A_63, %dma_start3A_64] : memref<512x128xf32, #tpu.memory_space<vmem>> -> memref<128x128xf32, #tpu.memory_space<vmem>>
        %dma_start3A_66 = tpu.memref_slice %arg5[%mul3A_61] : memref<512xi32, #tpu.memory_space<vmem>> -> memref<128xi32, #tpu.memory_space<vmem>>
        %dma_start3A_67 = arith.constant 0 : i32
        %dma_start3A_68 = arith.constant 0 : i32
        %dma_start3A_69 = tpu.memref_slice %arg3[%dma_start3A_67, %dma_start3A_68] : memref<100001x128xf32, #tpu.memory_space<hbm>> -> memref<100001x128xf32, #tpu.memory_space<hbm>>
        tpu.enqueue_indirect_dma source(%dma_start3A_69 : memref<100001x128xf32, #tpu.memory_space<hbm>>) target(%dma_start3A_65 : memref<128x128xf32, #tpu.memory_space<vmem>>) offsets(%dma_start3A_66 : memref<128xi32, #tpu.memory_space<vmem>>) semaphore(%arg7 : memref<!tpu.dma_semaphore, #tpu.memory_space<semaphore_mem>>)
      } else {
      }
      %mul3A_33 = arith.constant 128 : i32
      %mul3A_34 = arith.muli %scan3A_28, %mul3A_33 : i32
      %mul3A_35 = arith.constant 128 : i32
      %mul3A_36 = arith.muli %scan3A_28, %mul3A_35 : i32
      %dma_wait3A_37 = arith.constant 0 : i32
      %dma_wait3A_38 = tpu.memref_slice %arg6[%mul3A_36, %dma_wait3A_37] : memref<512x128xf32, #tpu.memory_space<vmem>> -> memref<128x128xf32, #tpu.memory_space<vmem>>
      %dma_wait3A_39 = tpu.memref_slice %arg5[%mul3A_34] : memref<512xi32, #tpu.memory_space<vmem>> -> memref<128xi32, #tpu.memory_space<vmem>>
      %dma_wait3A_40 = arith.constant 0 : i32
      %dma_wait3A_41 = arith.constant 0 : i32
      %dma_wait3A_42 = tpu.memref_slice %arg3[%dma_wait3A_40, %dma_wait3A_41] : memref<100001x128xf32, #tpu.memory_space<hbm>> -> memref<100001x128xf32, #tpu.memory_space<hbm>>
      tpu.wait_indirect_dma semaphore(%arg7 : memref<!tpu.dma_semaphore, #tpu.memory_space<semaphore_mem>>) src(%dma_wait3A_42 : memref<100001x128xf32, #tpu.memory_space<hbm>>) dst(%dma_wait3A_38 : memref<128x128xf32, #tpu.memory_space<vmem>>)
      %mul3A_43 = arith.constant 128 : i32
      %mul3A_44 = arith.muli %scan3A_28, %mul3A_43 : i32
      %mul3A_45 = arith.constant 512 : i32
      %mul3A_46 = arith.muli %add3A, %mul3A_45 : i32
      %mul3A_47 = arith.constant 128 : i32
      %mul3A_48 = arith.muli %scan3A_28, %mul3A_47 : i32
      %add3A_49 = arith.addi %mul3A_46, %mul3A_48 : i32
      %dma_start3A_50 = arith.constant 0 : i32
      %dma_start3A_51 = tpu.memref_slice %arg6[%mul3A_44, %dma_start3A_50] : memref<512x128xf32, #tpu.memory_space<vmem>> -> memref<128x128xf32, #tpu.memory_space<vmem>>
      %dma_start3A_52 = arith.constant 0 : i32
      %dma_start3A_53 = tpu.memref_slice %arg4[%add3A_49, %dma_start3A_52] : memref<16384x128xf32, #tpu.memory_space<hbm>> -> memref<128x128xf32, #tpu.memory_space<hbm>>
      %dma_start3A_54 = arith.constant 0 : i32
      %dma_start3A_55 = tpu.memref_slice %arg4[%add3A_49, %dma_start3A_54] : memref<16384x128xf32, #tpu.memory_space<hbm>> -> memref<128x128xf32, #tpu.memory_space<hbm>>
      %dma_start3A_56 = arith.constant 0 : i32
      %dma_start3A_57 = tpu.memref_slice %arg6[%mul3A_44, %dma_start3A_56] : memref<512x128xf32, #tpu.memory_space<vmem>> -> memref<128x128xf32, #tpu.memory_space<vmem>>
      tpu.enqueue_dma source(%dma_start3A_57 : memref<128x128xf32, #tpu.memory_space<vmem>>) target(%dma_start3A_55 : memref<128x128xf32, #tpu.memory_space<hbm>>) target_semaphore(%arg8 : memref<!tpu.dma_semaphore, #tpu.memory_space<semaphore_mem>>)
    }
    %scan3A_22 = arith.constant 4 : i32
    %mul3A_23 = arith.constant 512 : i32
    %mul3A_24 = arith.muli %add3A, %mul3A_23 : i32
    %dma_wait3A = arith.constant 0 : i32
    %dma_wait3A_25 = tpu.memref_slice %arg4[%mul3A_24, %dma_wait3A] : memref<16384x128xf32, #tpu.memory_space<hbm>> -> memref<512x128xf32, #tpu.memory_space<hbm>>
    %dma_wait3A_26 = arith.constant 0 : i32
    %dma_wait3A_27 = tpu.memref_slice %arg4[%mul3A_24, %dma_wait3A_26] : memref<16384x128xf32, #tpu.memory_space<hbm>> -> memref<512x128xf32, #tpu.memory_space<hbm>>
    tpu.wait_dma2 semaphore(%arg8 : memref<!tpu.dma_semaphore, #tpu.memory_space<semaphore_mem>>) src(%arg6 : memref<512x128xf32, #tpu.memory_space<vmem>>) dst(%dma_wait3A_27 : memref<512x128xf32, #tpu.memory_space<hbm>>)
    return
  }
}

module attributes {stable_mosaic.version = 14 : i64} {
  func.func @_mlp_body(%arg0: memref<16384x128xf32, #tpu.memory_space<hbm>>, %arg1: memref<128x128xf32, #tpu.memory_space<vmem>>, %arg2: memref<1x128xf32, #tpu.memory_space<vmem>>, %arg3: memref<128x128xf32, #tpu.memory_space<vmem>>, %arg4: memref<1x128xf32, #tpu.memory_space<vmem>>, %arg5: memref<16x128xf32, #tpu.memory_space<vmem>>, %arg6: memref<16x1xf32, #tpu.memory_space<vmem>>, %arg7: memref<16384x128xf32, #tpu.memory_space<hbm>>, %arg8: memref<16x16384xf32, #tpu.memory_space<hbm>>) attributes {dimension_semantics = [], scalar_prefetch = 0 : i64, scratch_operands = 0 : i64, tpu.core_type = #tpu.core_type<tc>} {
    "tpu.region"() ({
      %run_scoped3A = memref.alloca() : memref<2x8192x128xf32, #tpu.memory_space<vmem>>
      %run_scoped3A_0 = tpu.sem_alloc : memref<2x!tpu.dma_semaphore, #tpu.memory_space<semaphore_mem>>
      %run_scoped3A_1 = memref.alloca() : memref<2x8192x128xf32, #tpu.memory_space<vmem>>
      %run_scoped3A_2 = tpu.sem_alloc : memref<2x!tpu.dma_semaphore, #tpu.memory_space<semaphore_mem>>
      %run_scoped3A_3 = memref.alloca() : memref<2x16x8192xf32, #tpu.memory_space<vmem>>
      %run_scoped3A_4 = tpu.sem_alloc : memref<2x!tpu.dma_semaphore, #tpu.memory_space<semaphore_mem>>
      %select_n3A = arith.constant true
      %select_n3A_5 = arith.constant 0 : i32
      %select_n3A_6 = arith.constant -1 : i32
      %select_n3A_7 = arith.select %select_n3A, %select_n3A_6, %select_n3A_5 : i32
      %eq3A = arith.constant -1 : i32
      %eq3A_8 = arith.cmpi eq, %select_n3A_7, %eq3A : i32
      %select_n3A_9 = arith.constant 1 : i32
      %select_n3A_10 = arith.select %eq3A_8, %select_n3A_9, %select_n3A_7 : i32
      %add3A = arith.constant 0 : i32
      %add3A_11 = arith.addi %select_n3A_10, %add3A : i32
      %select_n3A_12 = arith.constant true
      %select_n3A_13 = arith.constant 0 : i32
      %select_n3A_14 = arith.constant 1 : i32
      %select_n3A_15 = arith.select %select_n3A_12, %select_n3A_14, %select_n3A_13 : i32
      %eq3A_16 = arith.constant 2 : i32
      %eq3A_17 = arith.cmpi eq, %select_n3A_15, %eq3A_16 : i32
      %select_n3A_18 = arith.constant 0 : i32
      %select_n3A_19 = arith.select %eq3A_17, %select_n3A_18, %select_n3A_15 : i32
      %add3A_20 = arith.constant 0 : i32
      %add3A_21 = arith.addi %select_n3A_19, %add3A_20 : i32
      %add3A_22 = arith.constant 1 : i32
      %add3A_23 = arith.addi %select_n3A_19, %add3A_22 : i32
      %select_n3A_24 = arith.constant true
      %select_n3A_25 = arith.select %select_n3A_24, %add3A_23, %select_n3A_19 : i32
      %eq3A_26 = arith.constant 2 : i32
      %eq3A_27 = arith.cmpi eq, %select_n3A_25, %eq3A_26 : i32
      %select_n3A_28 = arith.constant 0 : i32
      %select_n3A_29 = arith.select %eq3A_27, %select_n3A_28, %select_n3A_25 : i32
      %add3A_30 = arith.constant 0 : i32
      %add3A_31 = arith.addi %select_n3A_29, %add3A_30 : i32
      "tpu.trace_start"() <{level = 10 : i32, message = "ep_initialize_0"}> : () -> ()
      %rem3A = arith.constant 0 : i32
      %rem3A_32 = arith.constant 2 : i32
      %rem3A_33 = arith.remui %rem3A, %rem3A_32 : i32
      %dma_start3A = tpu.memref_slice %run_scoped3A_0[%rem3A_33] : memref<2x!tpu.dma_semaphore, #tpu.memory_space<semaphore_mem>> -> memref<1x!tpu.dma_semaphore, #tpu.memory_space<semaphore_mem>>
      %dma_start3A_34 = tpu.memref_squeeze %dma_start3A : memref<1x!tpu.dma_semaphore, #tpu.memory_space<semaphore_mem>> -> memref<!tpu.dma_semaphore, #tpu.memory_space<semaphore_mem>>
      %dma_start3A_35 = arith.constant 0 : i32
      %dma_start3A_36 = arith.constant 0 : i32
      %dma_start3A_37 = tpu.memref_slice %run_scoped3A[%rem3A_33, %dma_start3A_35, %dma_start3A_36] : memref<2x8192x128xf32, #tpu.memory_space<vmem>> -> memref<1x8192x128xf32, #tpu.memory_space<vmem>>
      %dma_start3A_38 = tpu.memref_squeeze %dma_start3A_37 : memref<1x8192x128xf32, #tpu.memory_space<vmem>> -> memref<8192x128xf32, #tpu.memory_space<vmem>>
      %dma_start3A_39 = arith.constant 0 : i32
      %dma_start3A_40 = arith.constant 0 : i32
      %dma_start3A_41 = tpu.memref_slice %arg0[%dma_start3A_39, %dma_start3A_40] : memref<16384x128xf32, #tpu.memory_space<hbm>> -> memref<8192x128xf32, #tpu.memory_space<hbm>>
      tpu.enqueue_dma source(%dma_start3A_41 : memref<8192x128xf32, #tpu.memory_space<hbm>>) target(%dma_start3A_38 : memref<8192x128xf32, #tpu.memory_space<vmem>>) target_semaphore(%dma_start3A_34 : memref<!tpu.dma_semaphore, #tpu.memory_space<semaphore_mem>>)
      %add3A_42 = arith.constant 0 : i32
      %add3A_43 = arith.constant 1 : i32
      %add3A_44 = arith.addi %add3A_42, %add3A_43 : i32
      %select_n3A_45 = arith.constant true
      %select_n3A_46 = arith.constant 0 : i32
      %select_n3A_47 = arith.select %select_n3A_45, %add3A_44, %select_n3A_46 : i32
      "tpu.trace_stop"() : () -> ()
      %scan3A = arith.constant 0 : i32
      %scan3A_48 = arith.constant 0 : i32
      %scan3A_49 = arith.constant 0 : i32
      %scan3A_50 = arith.constant 0 : i32
      %scan3A_51 = arith.constant 0 : i32
      %scan3A_52 = arith.constant 0 : i32
      %scan3A_53 = arith.constant 0 : i32
      %scan3A_54 = arith.constant 2 : i32
      %scan3A_55 = arith.addi %scan3A_53, %scan3A_54 : i32
      %scan3A_56 = arith.constant 1 : i32
      %scan3A_57:7 = scf.for %scan3A_120 = %scan3A_53 to %scan3A_55 step %scan3A_56 iter_args(%scan3A_121 = %select_n3A_47, %scan3A_122 = %scan3A, %scan3A_123 = %scan3A_48, %scan3A_124 = %scan3A_49, %scan3A_125 = %scan3A_50, %scan3A_126 = %scan3A_51, %scan3A_127 = %scan3A_52) -> (i32, i32, i32, i32, i32, i32, i32)  : i32 {
        %eq3A_128 = arith.constant 0 : i32
        %eq3A_129 = arith.cmpi eq, %scan3A_120, %eq3A_128 : i32
        %eq3A_130 = arith.constant 1 : i32
        %eq3A_131 = arith.cmpi eq, %scan3A_120, %eq3A_130 : i32
        %add3A_132 = arith.constant 0 : i32
        %add3A_133 = arith.addi %scan3A_127, %add3A_132 : i32
        %sub3A_134 = arith.constant 1 : i32
        %sub3A_135 = arith.subi %scan3A_127, %sub3A_134 : i32
        %select_n3A_136 = arith.constant true
        %select_n3A_137 = arith.select %select_n3A_136, %sub3A_135, %scan3A_127 : i32
        %eq3A_138 = arith.constant -1 : i32
        %eq3A_139 = arith.cmpi eq, %select_n3A_137, %eq3A_138 : i32
        %select_n3A_140 = arith.constant 1 : i32
        %select_n3A_141 = arith.select %eq3A_139, %select_n3A_140, %select_n3A_137 : i32
        %add3A_142 = arith.constant 0 : i32
        %add3A_143 = arith.addi %select_n3A_141, %add3A_142 : i32
        %add3A_144 = arith.constant 1 : i32
        %add3A_145 = arith.addi %scan3A_127, %add3A_144 : i32
        %select_n3A_146 = arith.constant true
        %select_n3A_147 = arith.select %select_n3A_146, %add3A_145, %scan3A_127 : i32
        %eq3A_148 = arith.constant 2 : i32
        %eq3A_149 = arith.cmpi eq, %select_n3A_147, %eq3A_148 : i32
        %select_n3A_150 = arith.constant 0 : i32
        %select_n3A_151 = arith.select %eq3A_149, %select_n3A_150, %select_n3A_147 : i32
        %add3A_152 = arith.constant 0 : i32
        %add3A_153 = arith.addi %select_n3A_151, %add3A_152 : i32
        %add3A_154 = arith.constant 1 : i32
        %add3A_155 = arith.addi %select_n3A_151, %add3A_154 : i32
        %select_n3A_156 = arith.constant true
        %select_n3A_157 = arith.select %select_n3A_156, %add3A_155, %select_n3A_151 : i32
        %eq3A_158 = arith.constant 2 : i32
        %eq3A_159 = arith.cmpi eq, %select_n3A_157, %eq3A_158 : i32
        %select_n3A_160 = arith.constant 0 : i32
        %select_n3A_161 = arith.select %eq3A_159, %select_n3A_160, %select_n3A_157 : i32
        %add3A_162 = arith.constant 0 : i32
        %add3A_163 = arith.addi %select_n3A_161, %add3A_162 : i32
        %ne3A = arith.cmpi ne, %add3A_133, %add3A_153 : i32
        %or3A = arith.constant false
        %or3A_164 = arith.ori %or3A, %ne3A : i1
        %or3A_165 = arith.constant false
        %or3A_166 = arith.ori %or3A_164, %or3A_165 : i1
        %ge3A = arith.constant 1 : i32
        %ge3A_167 = arith.cmpi sge, %scan3A_120, %ge3A : i32
        %not3A = arith.constant true
        %not3A_168 = arith.xori %ge3A_167, %not3A : i1
        %and3A = arith.andi %or3A_166, %not3A_168 : i1
        %convert_element_type3A = arith.extui %and3A : i1 to i32
        %cond3A = arith.constant 0 : i32
        %cond3A_169 = arith.cmpi ne, %convert_element_type3A, %cond3A : i32
        scf.if %cond3A_169 {
          "tpu.trace_start"() <{level = 10 : i32, message = "ep_copy_in"}> : () -> ()
          %rem3A_380 = arith.constant 2 : i32
          %rem3A_381 = arith.remui %scan3A_121, %rem3A_380 : i32
          %mul3A_382 = arith.constant 8192 : i32
          %mul3A_383 = arith.muli %mul3A_382, %add3A_153 : i32
          %dma_start3A_384 = tpu.memref_slice %run_scoped3A_0[%rem3A_381] : memref<2x!tpu.dma_semaphore, #tpu.memory_space<semaphore_mem>> -> memref<1x!tpu.dma_semaphore, #tpu.memory_space<semaphore_mem>>
          %dma_start3A_385 = tpu.memref_squeeze %dma_start3A_384 : memref<1x!tpu.dma_semaphore, #tpu.memory_space<semaphore_mem>> -> memref<!tpu.dma_semaphore, #tpu.memory_space<semaphore_mem>>
          %dma_start3A_386 = arith.constant 0 : i32
          %dma_start3A_387 = arith.constant 0 : i32
          %dma_start3A_388 = tpu.memref_slice %run_scoped3A[%rem3A_381, %dma_start3A_386, %dma_start3A_387] : memref<2x8192x128xf32, #tpu.memory_space<vmem>> -> memref<1x8192x128xf32, #tpu.memory_space<vmem>>
          %dma_start3A_389 = tpu.memref_squeeze %dma_start3A_388 : memref<1x8192x128xf32, #tpu.memory_space<vmem>> -> memref<8192x128xf32, #tpu.memory_space<vmem>>
          %dma_start3A_390 = arith.constant 0 : i32
          %dma_start3A_391 = tpu.memref_slice %arg0[%mul3A_383, %dma_start3A_390] : memref<16384x128xf32, #tpu.memory_space<hbm>> -> memref<8192x128xf32, #tpu.memory_space<hbm>>
          tpu.enqueue_dma source(%dma_start3A_391 : memref<8192x128xf32, #tpu.memory_space<hbm>>) target(%dma_start3A_389 : memref<8192x128xf32, #tpu.memory_space<vmem>>) target_semaphore(%dma_start3A_385 : memref<!tpu.dma_semaphore, #tpu.memory_space<semaphore_mem>>)
          "tpu.trace_stop"() : () -> ()
        } else {
        }
        %and3A_170 = arith.constant true
        %and3A_171 = arith.andi %and3A, %and3A_170 : i1
        %add3A_172 = arith.constant 1 : i32
        %add3A_173 = arith.addi %scan3A_121, %add3A_172 : i32
        %select_n3A_174 = arith.select %and3A_171, %add3A_173, %scan3A_121 : i32
        %ne3A_175 = arith.cmpi ne, %add3A_133, %add3A_153 : i32
        %or3A_176 = arith.constant false
        %or3A_177 = arith.ori %or3A_176, %ne3A_175 : i1
        %or3A_178 = arith.constant false
        %or3A_179 = arith.ori %or3A_177, %or3A_178 : i1
        %ge3A_180 = arith.constant 1 : i32
        %ge3A_181 = arith.cmpi sge, %scan3A_120, %ge3A_180 : i32
        %not3A_182 = arith.constant true
        %not3A_183 = arith.xori %ge3A_181, %not3A_182 : i1
        %and3A_184 = arith.andi %or3A_179, %not3A_183 : i1
        %ne3A_185 = arith.cmpi ne, %add3A_133, %add3A_153 : i32
        %or3A_186 = arith.constant false
        %or3A_187 = arith.ori %or3A_186, %ne3A_185 : i1
        %ge3A_188 = arith.constant 1 : i32
        %ge3A_189 = arith.cmpi sge, %scan3A_120, %ge3A_188 : i32
        %not3A_190 = arith.constant true
        %not3A_191 = arith.xori %ge3A_189, %not3A_190 : i1
        %and3A_192 = arith.andi %or3A_187, %not3A_191 : i1
        %ne3A_193 = arith.cmpi ne, %add3A_133, %add3A_143 : i32
        %or3A_194 = arith.constant false
        %or3A_195 = arith.ori %or3A_194, %ne3A_193 : i1
        %or3A_196 = arith.constant false
        %or3A_197 = arith.ori %or3A_195, %or3A_196 : i1
        %or3A_198 = arith.ori %or3A_197, %eq3A_129 : i1
        %convert_element_type3A_199 = arith.extui %or3A_198 : i1 to i32
        %cond3A_200 = arith.constant 0 : i32
        %cond3A_201 = arith.cmpi ne, %convert_element_type3A_199, %cond3A_200 : i32
        scf.if %cond3A_201 {
          "tpu.trace_start"() <{level = 10 : i32, message = "ep_wait_in"}> : () -> ()
          %mul3A_380 = arith.constant 8192 : i32
          %mul3A_381 = arith.muli %mul3A_380, %add3A_133 : i32
          %rem3A_382 = arith.constant 2 : i32
          %rem3A_383 = arith.remui %scan3A_122, %rem3A_382 : i32
          %dma_wait3A_384 = tpu.memref_slice %run_scoped3A_0[%rem3A_383] : memref<2x!tpu.dma_semaphore, #tpu.memory_space<semaphore_mem>> -> memref<1x!tpu.dma_semaphore, #tpu.memory_space<semaphore_mem>>
          %dma_wait3A_385 = tpu.memref_squeeze %dma_wait3A_384 : memref<1x!tpu.dma_semaphore, #tpu.memory_space<semaphore_mem>> -> memref<!tpu.dma_semaphore, #tpu.memory_space<semaphore_mem>>
          %dma_wait3A_386 = arith.constant 0 : i32
          %dma_wait3A_387 = arith.constant 0 : i32
          %dma_wait3A_388 = tpu.memref_slice %run_scoped3A[%rem3A_383, %dma_wait3A_386, %dma_wait3A_387] : memref<2x8192x128xf32, #tpu.memory_space<vmem>> -> memref<1x8192x128xf32, #tpu.memory_space<vmem>>
          %dma_wait3A_389 = tpu.memref_squeeze %dma_wait3A_388 : memref<1x8192x128xf32, #tpu.memory_space<vmem>> -> memref<8192x128xf32, #tpu.memory_space<vmem>>
          %dma_wait3A_390 = arith.constant 0 : i32
          %dma_wait3A_391 = tpu.memref_slice %arg0[%mul3A_381, %dma_wait3A_390] : memref<16384x128xf32, #tpu.memory_space<hbm>> -> memref<8192x128xf32, #tpu.memory_space<hbm>>
          tpu.wait_dma2 semaphore(%dma_wait3A_385 : memref<!tpu.dma_semaphore, #tpu.memory_space<semaphore_mem>>) src(%dma_wait3A_391 : memref<8192x128xf32, #tpu.memory_space<hbm>>) dst(%dma_wait3A_389 : memref<8192x128xf32, #tpu.memory_space<vmem>>)
          "tpu.trace_stop"() : () -> ()
        } else {
        }
        %ne3A_202 = arith.cmpi ne, %add3A_133, %add3A_143 : i32
        %or3A_203 = arith.constant false
        %or3A_204 = arith.ori %or3A_203, %ne3A_202 : i1
        %or3A_205 = arith.constant false
        %or3A_206 = arith.ori %or3A_204, %or3A_205 : i1
        %or3A_207 = arith.ori %or3A_206, %eq3A_129 : i1
        %convert_element_type3A_208 = arith.extui %or3A_207 : i1 to i32
        %cond3A_209 = arith.constant 0 : i32
        %cond3A_210 = arith.cmpi ne, %convert_element_type3A_208, %cond3A_209 : i32
        scf.if %cond3A_210 {
        } else {
        }
        %ne3A_211 = arith.cmpi ne, %add3A_133, %add3A_143 : i32
        %or3A_212 = arith.constant false
        %or3A_213 = arith.ori %or3A_212, %ne3A_211 : i1
        %or3A_214 = arith.ori %or3A_213, %eq3A_129 : i1
        %convert_element_type3A_215 = arith.extui %or3A_214 : i1 to i32
        %cond3A_216 = arith.constant 0 : i32
        %cond3A_217 = arith.cmpi ne, %convert_element_type3A_215, %cond3A_216 : i32
        scf.if %cond3A_217 {
        } else {
        }
        %rem3A_218 = arith.constant 2 : i32
        %rem3A_219 = arith.remui %scan3A_122, %rem3A_218 : i32
        %rem3A_220 = arith.constant 2 : i32
        %rem3A_221 = arith.remui %scan3A_123, %rem3A_220 : i32
        %rem3A_222 = arith.constant 2 : i32
        %rem3A_223 = arith.remui %scan3A_125, %rem3A_222 : i32
        "tpu.trace_start"() <{level = 10 : i32, message = "ep_run_kernel"}> : () -> ()
        %get3A = arith.index_cast %rem3A_219 : i32 to index
        %get3A_224 = arith.constant 0 : index
        %get3A_225 = arith.constant 0 : index
        %get3A_226 = vector.load %run_scoped3A[%get3A, %get3A_224, %get3A_225] : memref<2x8192x128xf32, #tpu.memory_space<vmem>>, vector<1x8192x128xf32>
        %get3A_227 = vector.shape_cast %get3A_226 : vector<1x8192x128xf32> to vector<8192x128xf32>
        %get3A_228 = arith.constant 0 : index
        %get3A_229 = arith.constant 0 : index
        %get3A_230 = vector.load %arg1[%get3A_228, %get3A_229] : memref<128x128xf32, #tpu.memory_space<vmem>>, vector<128x128xf32>
        %dot_general3A = arith.constant dense<0.000000e+00> : vector<8192x128xf32>
        %dot_general3A_231 = tpu.matmul %get3A_227, %get3A_230, %dot_general3A {dimension_numbers = #tpu.dot_dimension_numbers<[1], [0], [0], [1], [0, 0, 1, 1], [], []>, transpose_lhs_hint = false} : vector<8192x128xf32>, vector<128x128xf32>, vector<8192x128xf32> -> vector<8192x128xf32>
        %get3A_232 = arith.constant 0 : index
        %get3A_233 = arith.constant 0 : index
        %get3A_234 = vector.load %arg2[%get3A_232, %get3A_233] : memref<1x128xf32, #tpu.memory_space<vmem>>, vector<1x128xf32>
        %add3A_235 = vector.broadcast %get3A_234 : vector<1x128xf32> to vector<8192x128xf32>
        %add3A_236 = arith.addf %dot_general3A_231, %add3A_235 : vector<8192x128xf32>
        %integer_pow3A = arith.mulf %add3A_236, %add3A_236 : vector<8192x128xf32>
        %integer_pow3A_237 = arith.mulf %add3A_236, %integer_pow3A : vector<8192x128xf32>
        %mul3A_238 = arith.constant 4.471500e-02 : f32
        %mul3A_239 = vector.broadcast %mul3A_238 : f32 to vector<8192x128xf32>
        %mul3A_240 = arith.mulf %mul3A_239, %integer_pow3A_237 : vector<8192x128xf32>
        %add3A_241 = arith.addf %add3A_236, %mul3A_240 : vector<8192x128xf32>
        %mul3A_242 = arith.constant 0.797884583 : f32
        %mul3A_243 = vector.broadcast %mul3A_242 : f32 to vector<8192x128xf32>
        %mul3A_244 = arith.mulf %mul3A_243, %add3A_241 : vector<8192x128xf32>
        %tanh3A = math.tanh %mul3A_244 : vector<8192x128xf32>
        %add3A_245 = arith.constant 1.000000e+00 : f32
        %add3A_246 = vector.broadcast %add3A_245 : f32 to vector<8192x128xf32>
        %add3A_247 = arith.addf %add3A_246, %tanh3A : vector<8192x128xf32>
        %mul3A_248 = arith.constant 5.000000e-01 : f32
        %mul3A_249 = vector.broadcast %mul3A_248 : f32 to vector<8192x128xf32>
        %mul3A_250 = arith.mulf %mul3A_249, %add3A_247 : vector<8192x128xf32>
        %mul3A_251 = arith.mulf %add3A_236, %mul3A_250 : vector<8192x128xf32>
        %get3A_252 = arith.constant 0 : index
        %get3A_253 = arith.constant 0 : index
        %get3A_254 = vector.load %arg3[%get3A_252, %get3A_253] : memref<128x128xf32, #tpu.memory_space<vmem>>, vector<128x128xf32>
        %dot_general3A_255 = arith.constant dense<0.000000e+00> : vector<8192x128xf32>
        %dot_general3A_256 = tpu.matmul %mul3A_251, %get3A_254, %dot_general3A_255 {dimension_numbers = #tpu.dot_dimension_numbers<[1], [0], [0], [1], [0, 0, 1, 1], [], []>, transpose_lhs_hint = false} : vector<8192x128xf32>, vector<128x128xf32>, vector<8192x128xf32> -> vector<8192x128xf32>
        %get3A_257 = arith.constant 0 : index
        %get3A_258 = arith.constant 0 : index
        %get3A_259 = vector.load %arg4[%get3A_257, %get3A_258] : memref<1x128xf32, #tpu.memory_space<vmem>>, vector<1x128xf32>
        %add3A_260 = vector.broadcast %get3A_259 : vector<1x128xf32> to vector<8192x128xf32>
        %add3A_261 = arith.addf %dot_general3A_256, %add3A_260 : vector<8192x128xf32>
        %swap3A = arith.index_cast %rem3A_221 : i32 to index
        %swap3A_262 = arith.constant 0 : index
        %swap3A_263 = arith.constant 0 : index
        %swap3A_264 = vector.load %run_scoped3A_1[%swap3A, %swap3A_262, %swap3A_263] : memref<2x8192x128xf32, #tpu.memory_space<vmem>>, vector<1x8192x128xf32>
        %swap3A_265 = vector.shape_cast %swap3A_264 : vector<1x8192x128xf32> to vector<8192x128xf32>
        %swap3A_266 = vector.shape_cast %add3A_261 : vector<8192x128xf32> to vector<1x8192x128xf32>
        tpu.vector_store %run_scoped3A_1[%swap3A, %swap3A_262, %swap3A_263], %swap3A_266 {strides = array<i32>} : memref<2x8192x128xf32, #tpu.memory_space<vmem>>, vector<1x8192x128xf32>,
        %transpose3A = tpu.transpose %mul3A_251, [1, 0] : vector<8192x128xf32> -> vector<128x8192xf32>
        %get3A_267 = arith.constant 0 : index
        %get3A_268 = arith.constant 0 : index
        %get3A_269 = vector.load %arg5[%get3A_267, %get3A_268] : memref<16x128xf32, #tpu.memory_space<vmem>>, vector<16x128xf32>
        %dot_general3A_270 = arith.constant dense<0.000000e+00> : vector<16x8192xf32>
        %dot_general3A_271 = tpu.matmul %get3A_269, %transpose3A, %dot_general3A_270 {dimension_numbers = #tpu.dot_dimension_numbers<[1], [0], [0], [1], [0, 0, 1, 1], [], []>, transpose_lhs_hint = false} : vector<16x128xf32>, vector<128x8192xf32>, vector<16x8192xf32> -> vector<16x8192xf32>
        %get3A_272 = arith.constant 0 : index
        %get3A_273 = arith.constant 0 : index
        %get3A_274 = vector.load %arg6[%get3A_272, %get3A_273] : memref<16x1xf32, #tpu.memory_space<vmem>>, vector<16x1xf32>
        %add3A_275 = vector.broadcast %get3A_274 : vector<16x1xf32> to vector<16x8192xf32>
        %add3A_276 = arith.addf %dot_general3A_271, %add3A_275 : vector<16x8192xf32>
        %swap3A_277 = arith.index_cast %rem3A_223 : i32 to index
        %swap3A_278 = arith.constant 0 : index
        %swap3A_279 = arith.constant 0 : index
        %swap3A_280 = vector.load %run_scoped3A_3[%swap3A_277, %swap3A_278, %swap3A_279] : memref<2x16x8192xf32, #tpu.memory_space<vmem>>, vector<1x16x8192xf32>
        %swap3A_281 = vector.shape_cast %swap3A_280 : vector<1x16x8192xf32> to vector<16x8192xf32>
        %swap3A_282 = vector.shape_cast %add3A_276 : vector<16x8192xf32> to vector<1x16x8192xf32>
        tpu.vector_store %run_scoped3A_3[%swap3A_277, %swap3A_278, %swap3A_279], %swap3A_282 {strides = array<i32>} : memref<2x16x8192xf32, #tpu.memory_space<vmem>>, vector<1x16x8192xf32>,
        "tpu.trace_stop"() : () -> ()
        %ne3A_283 = arith.cmpi ne, %add3A_133, %add3A_153 : i32
        %or3A_284 = arith.constant false
        %or3A_285 = arith.ori %or3A_284, %ne3A_283 : i1
        %or3A_286 = arith.constant false
        %or3A_287 = arith.ori %or3A_285, %or3A_286 : i1
        %or3A_288 = arith.ori %or3A_287, %eq3A_131 : i1
        %convert_element_type3A_289 = arith.extui %or3A_288 : i1 to i32
        %cond3A_290 = arith.constant 0 : i32
        %cond3A_291 = arith.cmpi ne, %convert_element_type3A_289, %cond3A_290 : i32
        scf.if %cond3A_291 {
        } else {
        }
        %and3A_292 = arith.constant false
        %and3A_293 = arith.andi %or3A_288, %and3A_292 : i1
        %ne3A_294 = arith.cmpi ne, %add3A_133, %add3A_153 : i32
        %or3A_295 = arith.constant false
        %or3A_296 = arith.ori %or3A_295, %ne3A_294 : i1
        %or3A_297 = arith.constant false
        %or3A_298 = arith.ori %or3A_296, %or3A_297 : i1
        %or3A_299 = arith.ori %or3A_298, %eq3A_131 : i1
        %convert_element_type3A_300 = arith.extui %or3A_299 : i1 to i32
        %cond3A_301 = arith.constant 0 : i32
        %cond3A_302 = arith.cmpi ne, %convert_element_type3A_300, %cond3A_301 : i32
        scf.if %cond3A_302 {
          "tpu.trace_start"() <{level = 10 : i32, message = "ep_copy_out"}> : () -> ()
          %rem3A_380 = arith.constant 2 : i32
          %rem3A_381 = arith.remui %scan3A_123, %rem3A_380 : i32
          %mul3A_382 = arith.constant 8192 : i32
          %mul3A_383 = arith.muli %mul3A_382, %add3A_133 : i32
          %dma_start3A_384 = tpu.memref_slice %run_scoped3A_2[%rem3A_381] : memref<2x!tpu.dma_semaphore, #tpu.memory_space<semaphore_mem>> -> memref<1x!tpu.dma_semaphore, #tpu.memory_space<semaphore_mem>>
          %dma_start3A_385 = tpu.memref_squeeze %dma_start3A_384 : memref<1x!tpu.dma_semaphore, #tpu.memory_space<semaphore_mem>> -> memref<!tpu.dma_semaphore, #tpu.memory_space<semaphore_mem>>
          %dma_start3A_386 = arith.constant 0 : i32
          %dma_start3A_387 = tpu.memref_slice %arg7[%mul3A_383, %dma_start3A_386] : memref<16384x128xf32, #tpu.memory_space<hbm>> -> memref<8192x128xf32, #tpu.memory_space<hbm>>
          %dma_start3A_388 = arith.constant 0 : i32
          %dma_start3A_389 = arith.constant 0 : i32
          %dma_start3A_390 = tpu.memref_slice %run_scoped3A_1[%rem3A_381, %dma_start3A_388, %dma_start3A_389] : memref<2x8192x128xf32, #tpu.memory_space<vmem>> -> memref<1x8192x128xf32, #tpu.memory_space<vmem>>
          %dma_start3A_391 = tpu.memref_squeeze %dma_start3A_390 : memref<1x8192x128xf32, #tpu.memory_space<vmem>> -> memref<8192x128xf32, #tpu.memory_space<vmem>>
          tpu.enqueue_dma source(%dma_start3A_391 : memref<8192x128xf32, #tpu.memory_space<vmem>>) target(%dma_start3A_387 : memref<8192x128xf32, #tpu.memory_space<hbm>>) target_semaphore(%dma_start3A_385 : memref<!tpu.dma_semaphore, #tpu.memory_space<semaphore_mem>>)
          "tpu.trace_stop"() : () -> ()
        } else {
        }
        %and3A_303 = arith.constant true
        %and3A_304 = arith.andi %or3A_299, %and3A_303 : i1
        %add3A_305 = arith.constant 1 : i32
        %add3A_306 = arith.addi %scan3A_123, %add3A_305 : i32
        %select_n3A_307 = arith.select %and3A_304, %add3A_306, %scan3A_123 : i32
        %ne3A_308 = arith.cmpi ne, %add3A_133, %add3A_153 : i32
        %or3A_309 = arith.constant false
        %or3A_310 = arith.ori %or3A_309, %ne3A_308 : i1
        %or3A_311 = arith.ori %or3A_310, %eq3A_131 : i1
        %convert_element_type3A_312 = arith.extui %or3A_311 : i1 to i32
        %cond3A_313 = arith.constant 0 : i32
        %cond3A_314 = arith.cmpi ne, %convert_element_type3A_312, %cond3A_313 : i32
        scf.if %cond3A_314 {
          "tpu.trace_start"() <{level = 10 : i32, message = "ep_copy_out"}> : () -> ()
          %rem3A_380 = arith.constant 2 : i32
          %rem3A_381 = arith.remui %scan3A_125, %rem3A_380 : i32
          %mul3A_382 = arith.constant 8192 : i32
          %mul3A_383 = arith.muli %mul3A_382, %add3A_133 : i32
          %dma_start3A_384 = tpu.memref_slice %run_scoped3A_4[%rem3A_381] : memref<2x!tpu.dma_semaphore, #tpu.memory_space<semaphore_mem>> -> memref<1x!tpu.dma_semaphore, #tpu.memory_space<semaphore_mem>>
          %dma_start3A_385 = tpu.memref_squeeze %dma_start3A_384 : memref<1x!tpu.dma_semaphore, #tpu.memory_space<semaphore_mem>> -> memref<!tpu.dma_semaphore, #tpu.memory_space<semaphore_mem>>
          %dma_start3A_386 = arith.constant 0 : i32
          %dma_start3A_387 = tpu.memref_slice %arg8[%dma_start3A_386, %mul3A_383] : memref<16x16384xf32, #tpu.memory_space<hbm>> -> memref<16x8192xf32, #tpu.memory_space<hbm>>
          %dma_start3A_388 = arith.constant 0 : i32
          %dma_start3A_389 = arith.constant 0 : i32
          %dma_start3A_390 = tpu.memref_slice %run_scoped3A_3[%rem3A_381, %dma_start3A_388, %dma_start3A_389] : memref<2x16x8192xf32, #tpu.memory_space<vmem>> -> memref<1x16x8192xf32, #tpu.memory_space<vmem>>
          %dma_start3A_391 = tpu.memref_squeeze %dma_start3A_390 : memref<1x16x8192xf32, #tpu.memory_space<vmem>> -> memref<16x8192xf32, #tpu.memory_space<vmem>>
          tpu.enqueue_dma source(%dma_start3A_391 : memref<16x8192xf32, #tpu.memory_space<vmem>>) target(%dma_start3A_387 : memref<16x8192xf32, #tpu.memory_space<hbm>>) target_semaphore(%dma_start3A_385 : memref<!tpu.dma_semaphore, #tpu.memory_space<semaphore_mem>>)
          "tpu.trace_stop"() : () -> ()
        } else {
        }
        %and3A_315 = arith.constant true
        %and3A_316 = arith.andi %or3A_311, %and3A_315 : i1
        %add3A_317 = arith.constant 1 : i32
        %add3A_318 = arith.addi %scan3A_125, %add3A_317 : i32
        %select_n3A_319 = arith.select %and3A_316, %add3A_318, %scan3A_125 : i32
        %ne3A_320 = arith.cmpi ne, %add3A_133, %add3A_143 : i32
        %or3A_321 = arith.constant false
        %or3A_322 = arith.ori %or3A_321, %ne3A_320 : i1
        %or3A_323 = arith.constant false
        %or3A_324 = arith.ori %or3A_322, %or3A_323 : i1
        %not3A_325 = arith.constant true
        %not3A_326 = arith.xori %eq3A_129, %not3A_325 : i1
        %and3A_327 = arith.andi %or3A_324, %not3A_326 : i1
        %convert_element_type3A_328 = arith.extui %and3A_327 : i1 to i32
        %cond3A_329 = arith.constant 0 : i32
        %cond3A_330 = arith.cmpi ne, %convert_element_type3A_328, %cond3A_329 : i32
        scf.if %cond3A_330 {
        } else {
        }
        %and3A_331 = arith.constant false
        %and3A_332 = arith.andi %and3A_327, %and3A_331 : i1
        %ne3A_333 = arith.cmpi ne, %add3A_133, %add3A_143 : i32
        %or3A_334 = arith.constant false
        %or3A_335 = arith.ori %or3A_334, %ne3A_333 : i1
        %or3A_336 = arith.constant false
        %or3A_337 = arith.ori %or3A_335, %or3A_336 : i1
        %not3A_338 = arith.constant true
        %not3A_339 = arith.xori %eq3A_129, %not3A_338 : i1
        %and3A_340 = arith.andi %or3A_337, %not3A_339 : i1
        %convert_element_type3A_341 = arith.extui %and3A_340 : i1 to i32
        %cond3A_342 = arith.constant 0 : i32
        %cond3A_343 = arith.cmpi ne, %convert_element_type3A_341, %cond3A_342 : i32
        scf.if %cond3A_343 {
          "tpu.trace_start"() <{level = 10 : i32, message = "ep_wait_out"}> : () -> ()
          %rem3A_380 = arith.constant 2 : i32
          %rem3A_381 = arith.remui %scan3A_124, %rem3A_380 : i32
          %mul3A_382 = arith.constant 8192 : i32
          %mul3A_383 = arith.muli %mul3A_382, %add3A_143 : i32
          %dma_wait3A_384 = tpu.memref_slice %run_scoped3A_2[%rem3A_381] : memref<2x!tpu.dma_semaphore, #tpu.memory_space<semaphore_mem>> -> memref<1x!tpu.dma_semaphore, #tpu.memory_space<semaphore_mem>>
          %dma_wait3A_385 = tpu.memref_squeeze %dma_wait3A_384 : memref<1x!tpu.dma_semaphore, #tpu.memory_space<semaphore_mem>> -> memref<!tpu.dma_semaphore, #tpu.memory_space<semaphore_mem>>
          %dma_wait3A_386 = arith.constant 0 : i32
          %dma_wait3A_387 = tpu.memref_slice %arg7[%mul3A_383, %dma_wait3A_386] : memref<16384x128xf32, #tpu.memory_space<hbm>> -> memref<8192x128xf32, #tpu.memory_space<hbm>>
          %dma_wait3A_388 = arith.constant 0 : i32
          %dma_wait3A_389 = arith.constant 0 : i32
          %dma_wait3A_390 = tpu.memref_slice %run_scoped3A_1[%rem3A_381, %dma_wait3A_388, %dma_wait3A_389] : memref<2x8192x128xf32, #tpu.memory_space<vmem>> -> memref<1x8192x128xf32, #tpu.memory_space<vmem>>
          %dma_wait3A_391 = tpu.memref_squeeze %dma_wait3A_390 : memref<1x8192x128xf32, #tpu.memory_space<vmem>> -> memref<8192x128xf32, #tpu.memory_space<vmem>>
          tpu.wait_dma2 semaphore(%dma_wait3A_385 : memref<!tpu.dma_semaphore, #tpu.memory_space<semaphore_mem>>) src(%dma_wait3A_391 : memref<8192x128xf32, #tpu.memory_space<vmem>>) dst(%dma_wait3A_387 : memref<8192x128xf32, #tpu.memory_space<hbm>>)
          "tpu.trace_stop"() : () -> ()
        } else {
        }
        %and3A_344 = arith.constant true
        %and3A_345 = arith.andi %and3A_340, %and3A_344 : i1
        %add3A_346 = arith.constant 1 : i32
        %add3A_347 = arith.addi %scan3A_124, %add3A_346 : i32
        %select_n3A_348 = arith.select %and3A_345, %add3A_347, %scan3A_124 : i32
        %ne3A_349 = arith.cmpi ne, %add3A_133, %add3A_143 : i32
        %or3A_350 = arith.constant false
        %or3A_351 = arith.ori %or3A_350, %ne3A_349 : i1
        %not3A_352 = arith.constant true
        %not3A_353 = arith.xori %eq3A_129, %not3A_352 : i1
        %and3A_354 = arith.andi %or3A_351, %not3A_353 : i1
        %convert_element_type3A_355 = arith.extui %and3A_354 : i1 to i32
        %cond3A_356 = arith.constant 0 : i32
        %cond3A_357 = arith.cmpi ne, %convert_element_type3A_355, %cond3A_356 : i32
        scf.if %cond3A_357 {
          "tpu.trace_start"() <{level = 10 : i32, message = "ep_wait_out"}> : () -> ()
          %rem3A_380 = arith.constant 2 : i32
          %rem3A_381 = arith.remui %scan3A_126, %rem3A_380 : i32
          %mul3A_382 = arith.constant 8192 : i32
          %mul3A_383 = arith.muli %mul3A_382, %add3A_143 : i32
          %dma_wait3A_384 = tpu.memref_slice %run_scoped3A_4[%rem3A_381] : memref<2x!tpu.dma_semaphore, #tpu.memory_space<semaphore_mem>> -> memref<1x!tpu.dma_semaphore, #tpu.memory_space<semaphore_mem>>
          %dma_wait3A_385 = tpu.memref_squeeze %dma_wait3A_384 : memref<1x!tpu.dma_semaphore, #tpu.memory_space<semaphore_mem>> -> memref<!tpu.dma_semaphore, #tpu.memory_space<semaphore_mem>>
          %dma_wait3A_386 = arith.constant 0 : i32
          %dma_wait3A_387 = tpu.memref_slice %arg8[%dma_wait3A_386, %mul3A_383] : memref<16x16384xf32, #tpu.memory_space<hbm>> -> memref<16x8192xf32, #tpu.memory_space<hbm>>
          %dma_wait3A_388 = arith.constant 0 : i32
          %dma_wait3A_389 = arith.constant 0 : i32
          %dma_wait3A_390 = tpu.memref_slice %run_scoped3A_3[%rem3A_381, %dma_wait3A_388, %dma_wait3A_389] : memref<2x16x8192xf32, #tpu.memory_space<vmem>> -> memref<1x16x8192xf32, #tpu.memory_space<vmem>>
          %dma_wait3A_391 = tpu.memref_squeeze %dma_wait3A_390 : memref<1x16x8192xf32, #tpu.memory_space<vmem>> -> memref<16x8192xf32, #tpu.memory_space<vmem>>
          tpu.wait_dma2 semaphore(%dma_wait3A_385 : memref<!tpu.dma_semaphore, #tpu.memory_space<semaphore_mem>>) src(%dma_wait3A_391 : memref<16x8192xf32, #tpu.memory_space<vmem>>) dst(%dma_wait3A_387 : memref<16x8192xf32, #tpu.memory_space<hbm>>)
          "tpu.trace_stop"() : () -> ()
        } else {
        }
        %and3A_358 = arith.constant true
        %and3A_359 = arith.andi %and3A_354, %and3A_358 : i1
        %add3A_360 = arith.constant 1 : i32
        %add3A_361 = arith.addi %scan3A_126, %add3A_360 : i32
        %select_n3A_362 = arith.select %and3A_359, %add3A_361, %scan3A_126 : i32
        %ne3A_363 = arith.cmpi ne, %add3A_133, %add3A_153 : i32
        %or3A_364 = arith.constant false
        %or3A_365 = arith.ori %or3A_364, %ne3A_363 : i1
        %or3A_366 = arith.constant false
        %or3A_367 = arith.ori %or3A_365, %or3A_366 : i1
        %or3A_368 = arith.ori %or3A_367, %eq3A_131 : i1
        %add3A_369 = arith.constant 1 : i32
        %add3A_370 = arith.addi %scan3A_122, %add3A_369 : i32
        %select_n3A_371 = arith.select %or3A_368, %add3A_370, %scan3A_122 : i32
        %add3A_372 = arith.constant 1 : i32
        %add3A_373 = arith.addi %scan3A_127, %add3A_372 : i32
        %select_n3A_374 = arith.constant true
        %select_n3A_375 = arith.select %select_n3A_374, %add3A_373, %scan3A_127 : i32
        %eq3A_376 = arith.constant 2 : i32
        %eq3A_377 = arith.cmpi eq, %select_n3A_375, %eq3A_376 : i32
        %select_n3A_378 = arith.constant 0 : i32
        %select_n3A_379 = arith.select %eq3A_377, %select_n3A_378, %select_n3A_375 : i32
        scf.yield %select_n3A_174, %select_n3A_371, %select_n3A_307, %select_n3A_348, %select_n3A_319, %select_n3A_362, %select_n3A_379 : i32, i32, i32, i32, i32, i32, i32
      }
      %scan3A_58 = arith.constant 2 : i32
      %sub3A = arith.constant 1 : i32
      %sub3A_59 = arith.subi %scan3A_57#6, %sub3A : i32
      %select_n3A_60 = arith.constant true
      %select_n3A_61 = arith.select %select_n3A_60, %sub3A_59, %scan3A_57#6 : i32
      %eq3A_62 = arith.constant -1 : i32
      %eq3A_63 = arith.cmpi eq, %select_n3A_61, %eq3A_62 : i32
      %select_n3A_64 = arith.constant 1 : i32
      %select_n3A_65 = arith.select %eq3A_63, %select_n3A_64, %select_n3A_61 : i32
      %add3A_66 = arith.constant 0 : i32
      %add3A_67 = arith.addi %select_n3A_65, %add3A_66 : i32
      %sub3A_68 = arith.constant 1 : i32
      %sub3A_69 = arith.subi %select_n3A_65, %sub3A_68 : i32
      %select_n3A_70 = arith.constant true
      %select_n3A_71 = arith.select %select_n3A_70, %sub3A_69, %select_n3A_65 : i32
      %eq3A_72 = arith.constant -1 : i32
      %eq3A_73 = arith.cmpi eq, %select_n3A_71, %eq3A_72 : i32
      %select_n3A_74 = arith.constant 1 : i32
      %select_n3A_75 = arith.select %eq3A_73, %select_n3A_74, %select_n3A_71 : i32
      %add3A_76 = arith.constant 0 : i32
      %add3A_77 = arith.addi %select_n3A_75, %add3A_76 : i32
      %add3A_78 = arith.constant 1 : i32
      %add3A_79 = arith.addi %select_n3A_65, %add3A_78 : i32
      %select_n3A_80 = arith.constant true
      %select_n3A_81 = arith.select %select_n3A_80, %add3A_79, %select_n3A_65 : i32
      %eq3A_82 = arith.constant 2 : i32
      %eq3A_83 = arith.cmpi eq, %select_n3A_81, %eq3A_82 : i32
      %select_n3A_84 = arith.constant 0 : i32
      %select_n3A_85 = arith.select %eq3A_83, %select_n3A_84, %select_n3A_81 : i32
      %add3A_86 = arith.constant 0 : i32
      %add3A_87 = arith.addi %select_n3A_85, %add3A_86 : i32
      %add3A_88 = arith.constant 1 : i32
      %add3A_89 = arith.addi %select_n3A_85, %add3A_88 : i32
      %select_n3A_90 = arith.constant true
      %select_n3A_91 = arith.select %select_n3A_90, %add3A_89, %select_n3A_85 : i32
      %eq3A_92 = arith.constant 2 : i32
      %eq3A_93 = arith.cmpi eq, %select_n3A_91, %eq3A_92 : i32
      %select_n3A_94 = arith.constant 0 : i32
      %select_n3A_95 = arith.select %eq3A_93, %select_n3A_94, %select_n3A_91 : i32
      %add3A_96 = arith.constant 0 : i32
      %add3A_97 = arith.addi %select_n3A_95, %add3A_96 : i32
      "tpu.trace_start"() <{level = 10 : i32, message = "ep_finalize"}> : () -> ()
      %rem3A_98 = arith.constant 2 : i32
      %rem3A_99 = arith.remui %scan3A_57#3, %rem3A_98 : i32
      %mul3A = arith.constant 8192 : i32
      %mul3A_100 = arith.muli %mul3A, %add3A_67 : i32
      %dma_wait3A = tpu.memref_slice %run_scoped3A_2[%rem3A_99] : memref<2x!tpu.dma_semaphore, #tpu.memory_space<semaphore_mem>> -> memref<1x!tpu.dma_semaphore, #tpu.memory_space<semaphore_mem>>
      %dma_wait3A_101 = tpu.memref_squeeze %dma_wait3A : memref<1x!tpu.dma_semaphore, #tpu.memory_space<semaphore_mem>> -> memref<!tpu.dma_semaphore, #tpu.memory_space<semaphore_mem>>
      %dma_wait3A_102 = arith.constant 0 : i32
      %dma_wait3A_103 = tpu.memref_slice %arg7[%mul3A_100, %dma_wait3A_102] : memref<16384x128xf32, #tpu.memory_space<hbm>> -> memref<8192x128xf32, #tpu.memory_space<hbm>>
      %dma_wait3A_104 = arith.constant 0 : i32
      %dma_wait3A_105 = arith.constant 0 : i32
      %dma_wait3A_106 = tpu.memref_slice %run_scoped3A_1[%rem3A_99, %dma_wait3A_104, %dma_wait3A_105] : memref<2x8192x128xf32, #tpu.memory_space<vmem>> -> memref<1x8192x128xf32, #tpu.memory_space<vmem>>
      %dma_wait3A_107 = tpu.memref_squeeze %dma_wait3A_106 : memref<1x8192x128xf32, #tpu.memory_space<vmem>> -> memref<8192x128xf32, #tpu.memory_space<vmem>>
      tpu.wait_dma2 semaphore(%dma_wait3A_101 : memref<!tpu.dma_semaphore, #tpu.memory_space<semaphore_mem>>) src(%dma_wait3A_107 : memref<8192x128xf32, #tpu.memory_space<vmem>>) dst(%dma_wait3A_103 : memref<8192x128xf32, #tpu.memory_space<hbm>>)
      %rem3A_108 = arith.constant 2 : i32
      %rem3A_109 = arith.remui %scan3A_57#5, %rem3A_108 : i32
      %mul3A_110 = arith.constant 8192 : i32
      %mul3A_111 = arith.muli %mul3A_110, %add3A_67 : i32
      %dma_wait3A_112 = tpu.memref_slice %run_scoped3A_4[%rem3A_109] : memref<2x!tpu.dma_semaphore, #tpu.memory_space<semaphore_mem>> -> memref<1x!tpu.dma_semaphore, #tpu.memory_space<semaphore_mem>>
      %dma_wait3A_113 = tpu.memref_squeeze %dma_wait3A_112 : memref<1x!tpu.dma_semaphore, #tpu.memory_space<semaphore_mem>> -> memref<!tpu.dma_semaphore, #tpu.memory_space<semaphore_mem>>
      %dma_wait3A_114 = arith.constant 0 : i32
      %dma_wait3A_115 = tpu.memref_slice %arg8[%dma_wait3A_114, %mul3A_111] : memref<16x16384xf32, #tpu.memory_space<hbm>> -> memref<16x8192xf32, #tpu.memory_space<hbm>>
      %dma_wait3A_116 = arith.constant 0 : i32
      %dma_wait3A_117 = arith.constant 0 : i32
      %dma_wait3A_118 = tpu.memref_slice %run_scoped3A_3[%rem3A_109, %dma_wait3A_116, %dma_wait3A_117] : memref<2x16x8192xf32, #tpu.memory_space<vmem>> -> memref<1x16x8192xf32, #tpu.memory_space<vmem>>
      %dma_wait3A_119 = tpu.memref_squeeze %dma_wait3A_118 : memref<1x16x8192xf32, #tpu.memory_space<vmem>> -> memref<16x8192xf32, #tpu.memory_space<vmem>>
      tpu.wait_dma2 semaphore(%dma_wait3A_113 : memref<!tpu.dma_semaphore, #tpu.memory_space<semaphore_mem>>) src(%dma_wait3A_119 : memref<16x8192xf32, #tpu.memory_space<vmem>>) dst(%dma_wait3A_115 : memref<16x8192xf32, #tpu.memory_space<hbm>>)
      "tpu.trace_stop"() : () -> ()
      tpu.yield
    }) : () -> ()
    return
  }
}

</mosaic_0001>

<sc_bundles>
// kernel: kernel.4.cloned.1.call-start
scs
__scs_entry_jumppad:
0x0: {  	(pc) =	sbr.rel $0x88, $3  }
0x1: {  	(tag) =	ssettag $0x0;
	lr =	simm.s32 $0x1  }
0x2: {  	[smem:$0x3F99] =	sst lr;
	_ =	strace $0xD0000000  }
0x3: {  	_ = 	snop  }
0x4: {  	_ = 	snop  }
0x5: {  	_ = 	snop  }
0x6: {  	_ = 	snop  }
0x7: {  	_ = 	snop  }
__scs_overlays_trampoline_lowered:
0x8: {  	[smem:$0x3FA8] =	sst s0  }
0x9: {  	[smem:$0x3FA9] =	sst s1  }
0xa: {  	[smem:$0x3FAA] =	sst s2  }
0xb: {  	[smem:$0x3FAB] =	sst s3  }
0xc: {  	[smem:$0x3FAC] =	sst s4  }
0xd: {  	[smem:$0x3FAD] =	sst s5  }
0xe: {  	[smem:$0x3FAE] =	sst s6  }
0xf: {  	[smem:$0x3FAF] =	sst s7  }
0x10: {  	[smem:$0x3FB0] =	sst s8  }
0x11: {  	[smem:$0x3FB1] =	sst s9;
	s0 =	simm.s32 @!p0 $0x0  }
0x12: {  	s1 =	sld [smem:$0x3F97];
	s0 =	simm.s32 @p0 $0x1  }
0x13: {  	[smem:$0x3FB2] =	sst s0;
	s0 =	simm.s32 @!p1 $0x0  }
0x14: {  	s2 =	sld [smem:$0x3F96];
	s0 =	simm.s32 @p1 $0x1  }
0x15: {  	[smem:$0x3FB3] =	sst s0;
	s0 =	simm.s32 @!p2 $0x0  }
0x16: {  	s3 =	sld [smem:$0x3FDB];
	s0 =	simm.s32 @p2 $0x1  }
0x17: {  	s4 =	simm.s32 $0x1BF5;
	[smem:$0x3FB5] =	sst s0  }
0x18: {  	s0 =	sld [smem:$0x3F98];
	_ =	swait.ge [sflag:s4], $0x0  }
0x19: {  	s7 =	sld [smem:$0x3F99]  }
0x1a: {  	s8 =	sadd.s32 $0xFFFFE003, lr  }
0x1b: {  	s9 =	sadd.s32 $0xFFFFFEF7, lr;
	s5 =	simm.s32 $0xFFFFFFFF;
	p2 =	slt.u32 s8, $0xFFFFF086  }
0x1c: {  	p1 =	slt.u32 s9, $0xF7A;
	s5 =	simm.s32 @!p2 $0x0  }
0x1d: {  	s5 =	simm.s32 @p1 $0x1;
	p0 =	seq.s32 s7, s2  }
0x1e: {  	s7 =	smul.u32 @!p0 $0xF7A, s2;
	p2 =	seq.s32 @!p0 s5, $0x0  }
0x1f: {  	s9 =	smul.u32 $0xF7A, s1;
	s8 =	simm.s32 @!p0 $0x1BF5;
	p2 =	por !p2, p0  }
0x20: {  	[sflag:s8] =	ssyncset.s32 @!p0 $0xFFFFF086;
	s6 =	sadd.s32 @!p0 s3, s7;
	s7 =	simm.s32 @!p0 $0x108  }
0x21: {  	s3 =	sadd.s32 s3, s9;
	s6 =	sadd.s32 @!p0 $0x88, s6;
	s7 =	simm.s32 @p2 $0x1082  }
0x22: {  	[simem:s7], [sflag:s8] =	dma.local @!p0 [hbm:s6], $0xF7A  }
0x23: {  	s9 =	sor.u32 $0xD0000000, s2;
	s6 =	simm.s32 $0x108;
	_ =	swait.ge @!p0 [sflag:s8], $0x0  }
0x24: {  	s3 =	sadd.s32 $0x88, s3;
	s6 =	simm.s32 @!p1 $0x1082;
	[sflag:s4] =	ssyncset.s32 $0xFFFFF086  }
0x25: {  	[simem:s6], [sflag:s4] =	dma.local [hbm:s3], $0xF7A  }
0x26: {  	[smem:$0x3F99] =	sst s1;
	(tag) =	ssettag s2;
	_ =	strace s9  }
0x27: {  	s1 =	sld [smem:$0x3FA9]  }
0x28: {  	s2 =	sld [smem:$0x3FAA]  }
0x29: {  	s4 =	sld [smem:$0x3FAC]  }
0x2a: {  	p0 =	seq.s32 s5, $0x0;
	s5 =	sld [smem:$0x3FAD]  }
0x2b: {  	s6 =	sld [smem:$0x3FAE]  }
0x2c: {  	s7 =	sld [smem:$0x3FAF]  }
0x2d: {  	s3 =	simm.s32 $0x108;
	s8 =	sld [smem:$0x3FB0]  }
0x2e: {  	s3 =	simm.s32 @!p0 $0x1082;
	s9 =	sld [smem:$0x3FB1]  }
0x2f: {  	lr =	sadd.s32 s0, s3;
	s0 =	sld [smem:$0x3FA8]  }
0x30: {  	s3 =	sld [smem:$0x3FAB]  }
0x31: {  	[smem:$0x3FB4] =	sst s10  }
0x32: {  	s10 =	sld [smem:$0x3FB2];
	_ =	sdelay $0x3  }
0x33: {  	p0 =	seq.s32 s10, $0x1;
	s10 =	sld [smem:$0x3FB4];
	_ =	sdelay $0x3  }
0x34: {  	[smem:$0x3FB4] =	sst s10  }
0x35: {  	s10 =	sld [smem:$0x3FB3];
	_ =	sdelay $0x3  }
0x36: {  	p1 =	seq.s32 s10, $0x1;
	s10 =	sld [smem:$0x3FB4];
	_ =	sdelay $0x3  }
0x37: {  	[smem:$0x3FB4] =	sst s10  }
0x38: {  	s10 =	sld [smem:$0x3FB5]  }
0x39: {  	_ = 	snop;
	(pc) =	sbr.ind lr, $3  }
0x3a: {  	_ = 	snop  }
0x3b: {  	_ = 	snop  }
0x3c: {  	p2 =	seq.s32 s10, $0x1;
	s10 =	sld [smem:$0x3FB4]  }
0x3d: {  	_ =	shalt  }
0x3e: {  	_ =	shalt  }
0x3f: {  	_ =	shalt  }
0x40: {  	_ =	shalt  }
0x41: {  	_ =	shalt  }
0x42: {  	_ =	shalt  }
0x43: {  	_ =	shalt  }
0x44: {  	_ =	shalt  }
0x45: {  	_ =	shalt  }
0x46: {  	_ =	shalt  }
0x47: {  	_ =	shalt  }
0x48: {  	_ =	shalt  }
0x49: {  	_ =	shalt  }
0x4a: {  	_ =	shalt  }
0x4b: {  	_ =	shalt  }
0x4c: {  	_ =	shalt  }
0x4d: {  	_ =	shalt  }
0x4e: {  	_ =	shalt  }
0x4f: {  	_ =	shalt  }
0x50: {  	_ =	shalt  }
0x51: {  	_ =	shalt  }
0x52: {  	_ =	shalt  }
0x53: {  	_ =	shalt  }
0x54: {  	_ =	shalt  }
0x55: {  	_ =	shalt  }
0x56: {  	_ =	shalt  }
0x57: {  	_ =	shalt  }
0x58: {  	_ =	shalt  }
0x59: {  	_ =	shalt  }
0x5a: {  	_ =	shalt  }
0x5b: {  	_ =	shalt  }
0x5c: {  	_ =	shalt  }
0x5d: {  	_ =	shalt  }
0x5e: {  	_ =	shalt  }
0x5f: {  	_ =	shalt  }
0x60: {  	_ =	shalt  }
0x61: {  	_ =	shalt  }
0x62: {  	_ =	shalt  }
0x63: {  	_ =	shalt  }
0x64: {  	_ =	shalt  }
0x65: {  	_ =	shalt  }
0x66: {  	_ =	shalt  }
0x67: {  	_ =	shalt  }
0x68: {  	_ =	shalt  }
0x69: {  	_ =	shalt  }
0x6a: {  	_ =	shalt  }
0x6b: {  	_ =	shalt  }
0x6c: {  	_ =	shalt  }
0x6d: {  	_ =	shalt  }
0x6e: {  	_ =	shalt  }
0x6f: {  	_ =	shalt  }
0x70: {  	_ =	shalt  }
0x71: {  	_ =	shalt  }
0x72: {  	_ =	shalt  }
0x73: {  	_ =	shalt  }
0x74: {  	_ =	shalt  }
0x75: {  	_ =	shalt  }
0x76: {  	_ =	shalt  }
0x77: {  	_ =	shalt  }
0x78: {  	_ =	shalt  }
0x79: {  	_ =	shalt  }
0x7a: {  	_ =	shalt  }
0x7b: {  	_ =	shalt  }
0x7c: {  	_ =	shalt  }
0x7d: {  	_ =	shalt  }
0x7e: {  	_ =	shalt  }
0x7f: {  	_ =	shalt  }
0x80: {  	_ =	shalt  }
0x81: {  	_ =	shalt  }
0x82: {  	_ =	shalt  }
0x83: {  	_ =	shalt  }
0x84: {  	_ =	shalt  }
0x85: {  	_ =	shalt  }
0x86: {  	_ =	shalt  }
0x87: {  	_ =	shalt  }
.Lfunc_end0:
.L_simem_size_0:
called_computation_lowered:
.L_overlay_start_0:
0x88: {  	s2 =	sld [smem:$0x3FD9]  }
0x89: {  	s3 =	sld [smem:$0x3FFE];
	_ =	sdelay $0x1  }
0x8a: {  	s1 =	srdreg.scid  }
0x8b: {  	s0 =	sand.u32 $0x1, s1  }
0x8c: {  	s17 =	sshll.u32 s0, $0xA;
	s2 =	sadd.s32 s3, s2  }
0x8d: {  	s2 =	sadd.s32 s2, s17  }
0x8e: {  	[smem:$0x3FC0] =	sst s2  }
0x8f: {  	_ = 	snop  }
0x90: {  	s2 =	sld [smem:$0x3FC9]  }
0x91: {  	s18 =	sld [smem:$0x3FC8];
	(tm) =	ssettm $0x1  }
0x92: {  	s4 =	sld [smem:$0x3FFB];
	_ =	sdelay $0x3  }
0x93: {  	_ =	strace s4  }
0x94: {  	s4 =	sld [smem:$0x3FFC];
	_ =	sdelay $0x3  }
0x95: {  	_ =	strace s4  }
0x96: {  	s4 =	sld [smem:$0x3FFD];
	_ =	sdelay $0x3  }
0x97: {  	_ =	strace s4  }
0x98: {  	_ =	strace $0x8FFFFFFF  }
0x99: {  	s19 =	sld [smem:$0x3FDB];
	_ =	sdelay $0x1  }
0x9a: {  	s5 =	simm.s32 $_scs_section_size  }
0x9b: {  	s6 =	simm.s32 $_size__tile_overlayer_lowered;
	s7 =	simm.s32 $_tile_overlayer_lowered  }
0x9c: {  	s22 =	simm.s32 $0x1BFF;
	s21 =	sshll.u32 s7, $0x1;
	s4 =	sadd.s32 s5, s19  }
0x9d: {  	s8 =	simm.s32 $0x0;
	s20 =	sshll.u32 s6, $0x1;
	s6 =	sadd.s32 s21, s4  }
0x9e: {  	[timem:s8], [sflag:s22] =	dma.local [hbm:s6], s20  }
0x9f: {  	_ =	swait.ge [sflag:s22], s20  }
0xa0: {  	s5 =	ssub.s32 $0x0, s20;
	[sflag:s22] =	ssyncset.done $0x0  }
0xa1: {  	[sflag:s22] =	ssyncadd.s32 s5;
	_ =	sdelay $0x1  }
0xa2: {  	s23 =	simm.s32 $0x1B8B  }
0xa3: {  	_ =	swait.ge [sflag:s23], $0x1  }
0xa4: {  	[sflag:s23] =	ssyncset.done $0x0  }
0xa5: {  	s25 =	simm.s32 $0x1B8E;
	s24 =	sld [smem:$0x3FFE];
	[sflag:s23] =	ssyncadd.s32 $0xFFFFFFFF  }
0xa6: {  	s26 =	simm.s32 $execute0_lowered;
	[smem:$0x3FD2] =	sst s25  }
0xa7: {  	s6 =	sshll.u32 s26, $0x1;
	_ =	strace $0x80000046;
	[dreg:$0x1] =	wrdreg $0xFFFFFFFF  }
0xa8: {  	s28 =	simm.s32 $_size_execute0_lowered;
	s4 =	sadd.s32 s4, s6;
	[dreg:$0x0] =	wrdreg $0x0  }
0xa9: {  	s6 =	sshll.u32 s28, $0x1;
	[dreg:$0x2] =	wrdreg s4  }
0xaa: {  	[dreg:$0x3] =	wrdreg s6  }
0xab: {  	[dreg:$0x4] =	wrdreg $0xC0  }
0xac: {  	_ =	task [dreg:s8], $0x5FFFF  }
0xad: {  	[dreg:$0x1] =	wrdreg $0xFFFFFFFF  }
0xae: {  	[dreg:$0x0] =	wrdreg $0x60  }
0xaf: {  	[dreg:$0x2] =	wrdreg s2  }
0xb0: {  	[dreg:$0x3] =	wrdreg s18  }
0xb1: {  	[dreg:$0x4] =	wrdreg s24  }
0xb2: {  	[dreg:$0x5] =	wrdreg $0x9  }
0xb3: {  	_ =	task.clear_ibuf [dreg:s8], $0x6FFFF;
	_ =	strace $0x90000046  }
0xb4: {  	s29 =	simm.s32 $0x9;
	_ =	strace $0x80000048  }
0xb5: {  	_ =	swait.ge [sflag:s29], $0x1  }
0xb6: {  	[sflag:s29] =	ssyncadd.s32 $0xFFFFFFFF  }
0xb7: {  	_ =	strace $0x90000048  }
0xb8: {  	_ =	sfence  }
0xb9: {  	s30 =	sld [smem:$0x0];
	_ =	sdelay $0x2  }
0xba: {  	s31 =	sshll.u32 s1, $0xD;
	s1 =	sshrl.u32 s1, $0x2  }
0xbb: {  	s3 =	sand.u32 $0x4000, s31;
	s1 =	sadd.s32 s1, s30  }
0xbc: {  	s0 =	sor.u32 s3, s0;
	s1 =	sshll.u32 s1, $0x11  }
0xbd: {  	s0 =	sor.u32 s1, s0  }
0xbe: {  	s0 =	sadd.s32 $0x8F2B, s0  }
0xbf: {  	[sflag:s0] =	ssyncadd.remote.s32 $0x1  }
0xc0: {  	_ =	sfence.sel $0xFFFF  }
0xc1: {  	[dreg:$0x0] =	wrdreg $0xFFFFFFFF;
	(pc) =	sbr.abs _section_cstart, $3  }
0xc2: {  	[dreg:$0x1] =	wrdreg $0xFFFFFFFF  }
0xc3: {  	_ =	task.clear_ibuf [dreg:s8], $0x2FFFF;
	_ =	strace $0x9FFFFFFF  }
0xc4: {  	(tm) =	ssettm $0x7FFFFFFF  }
0xc5: {  	_ =	shalt  }
tec
execute0_lowered:
.L_overlay_start_1:
0x0: {  	(tag) =	ssettag $0x1  }
0x1: {  	s4 =	rddreg [dreg:$0x0];
	s1 =	srdreg.scid  }
0x2: {  	s2 =	rddreg [dreg:$0x1];
	s0 =	stileid.u32;
	s16 =	sand.u32 $0x1, s1  }
0x3: {  	s12 =	rddreg [dreg:$0x2];
	s5 =	sshll.u32 s0, $0xA;
	s6 =	sshll.u32 s16, $0x9  }
0x4: {  	s3 =	simm.s32 $0x0;
	s1 =	rddreg [dreg:$0x3];
	s13 =	sor.u32 s6, s5  }
0x5: {  	[smem:$0x7FF] =	sst s3;
	s5 =	sshrl.u32 s13, $0x3  }
0x6: {  	_ =	strace $0x80000047;
	s4 =	sadd.s32 s4, s5;
	s5 =	simm.s32 $0x3  }
0x7: {  	[tilespmem:s3], [sflag:$0x3] =	stream.linear.gather [hbm4b:s4+s3], $0x200, $0x38;
	[tilespmem:$0x10200] =	vst v63  }
0x8: {  	_ =	swait.ge [sflag:s5], $0x200  }
0x9: {  	[sflag:s5] =	ssyncset.done $0x0  }
0xa: {  	s7 =	simm.s32 $0x200;
	s6 =	simm.s32 $0x80;
	[sflag:s5] =	ssyncadd.s32 $0xFFFFFE00  }
0xb: {  	[tilespmem:s7], [sflag:$0x1] =	stream.indirect.gather [hbm4b:s2+s6], $0x80, s3, s6, $0xb8;
	[tilespmem:$0x10200] =	vst v63  }
0xc: {  	s8 =	simm.s32 $0x4200  }
0xd: {  	[tilespmem:s8], [sflag:$0x1] =	stream.indirect.gather [hbm4b:s2+s6], $0x80, s6, s6, $0xb8;
	[tilespmem:$0x10200] =	vst v63  }
0xe: {  	s9 =	simm.s32 $0x100;
	s10 =	simm.s32 $0x8200;
	s11 =	simm.s32 $0x1  }
0xf: {  	[tilespmem:s10], [sflag:$0x1] =	stream.indirect.gather [hbm4b:s2+s6], $0x80, s9, s6, $0xb8;
	[tilespmem:$0x10200] =	vst v63  }
0x10: {  	s13 =	sshll.u32 s13, $0x4;
	_ =	swait.ge [sflag:s11], $0x4000  }
0x11: {  	s17 =	sadd.s32 s13, s12;
	[sflag:s11] =	ssyncset.done $0x0  }
0x12: {  	s12 =	sadd.s32 $0x1200, s17;
	[sflag:s11] =	ssyncadd.s32 $0xFFFFC000  }
0x13: {  	[hbm4b:s12+s3] =	stream.linear.scatter [tilespmem:s7], [sflag:$0x2], $0x4000, $0x38;
	[tilespmem:$0x10200] =	vst v63  }
0x14: {  	s14 =	simm.s32 $0xC200;
	s13 =	simm.s32 $0x180  }
0x15: {  	[tilespmem:s14], [sflag:$0x1] =	stream.indirect.gather [hbm4b:s2+s6], $0x80, s13, s6, $0xb8;
	[tilespmem:$0x10200] =	vst v63  }
0x16: {  	_ =	swait.ge [sflag:s11], $0x4000  }
0x17: {  	[sflag:s11] =	ssyncset.done $0x0  }
0x18: {  	s18 =	ssub.s32 $0x2, s16;
	s15 =	sadd.s32 $0x1A00, s17;
	[sflag:s11] =	ssyncadd.s32 $0xFFFFC000  }
0x19: {  	[hbm4b:s15+s3] =	stream.linear.scatter [tilespmem:s8], [sflag:$0x2], $0x4000, $0x38;
	[tilespmem:$0x10200] =	vst v63  }
0x1a: {  	s19 =	sshrl.u32 s18, $0x1;
	_ =	swait.ge [sflag:s11], $0x4000  }
0x1b: {  	s18 =	ssub.s32 s18, s19;
	[sflag:s11] =	ssyncset.done $0x0  }
0x1c: {  	s19 =	smax.u32 s18, $0x1;
	s16 =	sadd.s32 $0x2200, s17;
	[sflag:s11] =	ssyncadd.s32 $0xFFFFC000  }
0x1d: {  	[hbm4b:s16+s3] =	stream.linear.scatter [tilespmem:s10], [sflag:$0x2], $0x4000, $0x38;
	[tilespmem:$0x10200] =	vst v63  }
0x1e: {  	p0 =	sne.s32 s19, $0x1;
	_ =	swait.ge [sflag:s11], $0x4000  }
.Ltmp0:
0x1f: {  	[sflag:s11] =	ssyncset.done $0x0;
	(pc) =	sbr.rel @!p0 .LBB2_2-.Ltmp0, $4  }
0x20: {  	s18 =	sadd.s32 $0x2A00, s17;
	s17 =	simm.s32 $0x2;
	[sflag:s11] =	ssyncadd.s32 $0xFFFFC000  }
0x21: {  	[hbm4b:s18+s3] =	stream.linear.scatter [tilespmem:s14], [sflag:$0x2], $0x4000, $0x38;
	[tilespmem:$0x10200] =	vst v63  }
0x22: {  	_ =	swait.ge [sflag:s17], $0x10000  }
0x23: {  	s19 =	sadd.s32 $0xFFFFFFFF, s19;
	[sflag:s17] =	ssyncset.done $0x0  }
.LBB2_1:
0x24: {  	p0 =	sne.s32 s19, $0x1;
	s19 =	sadd.s32 $0xFFFFFFFF, s19;
	[sflag:s17] =	ssyncadd.s32 $0xFFFF0000  }
0x25: {  	[tilespmem:s3], [sflag:$0x3] =	stream.linear.gather [hbm4b:s4+s3], $0x200, $0x38;
	[tilespmem:$0x10200] =	vst v63  }
0x26: {  	_ =	swait.ge [sflag:s5], $0x200  }
0x27: {  	[sflag:s5] =	ssyncset.done $0x0  }
0x28: {  	[sflag:s5] =	ssyncadd.s32 $0xFFFFFE00  }
0x29: {  	[tilespmem:s7], [sflag:$0x1] =	stream.indirect.gather [hbm4b:s2+s6], $0x80, s3, s6, $0xb8;
	[tilespmem:$0x10200] =	vst v63  }
0x2a: {  	_ = 	snop  }
0x2b: {  	[tilespmem:s8], [sflag:$0x1] =	stream.indirect.gather [hbm4b:s2+s6], $0x80, s6, s6, $0xb8;
	[tilespmem:$0x10200] =	vst v63  }
0x2c: {  	_ = 	snop  }
0x2d: {  	[tilespmem:s10], [sflag:$0x1] =	stream.indirect.gather [hbm4b:s2+s6], $0x80, s9, s6, $0xb8;
	[tilespmem:$0x10200] =	vst v63  }
0x2e: {  	_ =	swait.ge [sflag:s11], $0x4000  }
0x2f: {  	[sflag:s11] =	ssyncset.done $0x0  }
0x30: {  	[sflag:s11] =	ssyncadd.s32 $0xFFFFC000  }
0x31: {  	[hbm4b:s12+s3] =	stream.linear.scatter [tilespmem:s7], [sflag:$0x2], $0x4000, $0x38;
	[tilespmem:$0x10200] =	vst v63  }
0x32: {  	_ = 	snop  }
0x33: {  	[tilespmem:s14], [sflag:$0x1] =	stream.indirect.gather [hbm4b:s2+s6], $0x80, s13, s6, $0xb8;
	[tilespmem:$0x10200] =	vst v63  }
0x34: {  	_ =	swait.ge [sflag:s11], $0x4000  }
0x35: {  	[sflag:s11] =	ssyncset.done $0x0  }
0x36: {  	[sflag:s11] =	ssyncadd.s32 $0xFFFFC000  }
0x37: {  	[hbm4b:s15+s3] =	stream.linear.scatter [tilespmem:s8], [sflag:$0x2], $0x4000, $0x38;
	[tilespmem:$0x10200] =	vst v63  }
0x38: {  	_ =	swait.ge [sflag:s11], $0x4000  }
0x39: {  	[sflag:s11] =	ssyncset.done $0x0  }
0x3a: {  	[sflag:s11] =	ssyncadd.s32 $0xFFFFC000  }
0x3b: {  	[hbm4b:s16+s3] =	stream.linear.scatter [tilespmem:s10], [sflag:$0x2], $0x4000, $0x38;
	[tilespmem:$0x10200] =	vst v63  }
0x3c: {  	_ =	swait.ge [sflag:s11], $0x4000  }
.Ltmp1:
0x3d: {  	[sflag:s11] =	ssyncset.done $0x0;
	(pc) =	sbr.rel @p0 .LBB2_1-.Ltmp1, $4  }
0x3e: {  	[sflag:s11] =	ssyncadd.s32 $0xFFFFC000  }
0x3f: {  	[hbm4b:s18+s3] =	stream.linear.scatter [tilespmem:s14], [sflag:$0x2], $0x4000, $0x38;
	[tilespmem:$0x10200] =	vst v63  }
0x40: {  	_ =	swait.ge [sflag:s17], $0x10000  }
0x41: {  	[sflag:s17] =	ssyncset.done $0x0  }
.LBB2_2:
0x42: {  	[sflag:s17] =	ssyncadd.s32 $0xFFFF0000  }
0x43: {  	_ =	sfence.sel $0x180000  }
0x44: {  	[bflag:$0x0] =	sbarrier.arrive $0xFFFF  }
0x45: {  	p0 =	sne.s32 s0, $0x0;
	_ =	strace $0x90000047  }
0x46: {  	s0 =	sadd.s32 @!p0 $0x100000, s1;
	[bflag:$0x2] =	sbarrier.arrive $0xFFFF  }
0x47: {  	[sflag:s0] =	ssyncadd.tile.s32 @!p0 $0x1;
	_ =	shalt  }
.Lfunc_end2:
_tile_overlayer_lowered:
.L_overlay_start_2:
0x48: {  	(tag) =	ssettag $0x2  }
0x49: {  	s0 =	rddreg [dreg:$0x0];
	s2 =	stileid.u32  }
0x4a: {  	s1 =	rddreg [dreg:$0x1];
	p0 =	sne.s32 s2, $0x0  }
0x4b: {  	s3 =	rddreg [dreg:$0x2];
	[bflag:$0x3] =	sbarrier.arrive $0xFFFF;
	s2 =	simm.s32 @!p0 $0x1C03  }
0x4c: {  	[timem:s3], [sflag:s2] =	dma.local @!p0 [hbm:s0], s1  }
0x4d: {  	s0 =	simm.s32 @!p0 $0x3  }
0x4e: {  	_ =	swait.ge @!p0 [sflag:s0], s1  }
0x4f: {  	s1 =	ssub.s32 @!p0 $0x0, s1;
	[sflag:s0] =	ssyncset.done @!p0 $0x0  }
0x50: {  	[sflag:s0] =	ssyncadd.s32 @!p0 s1  }
0x51: {  	[bflag:$0x3] =	sbarrier.arrive $0xFFFF  }
0x52: {  	_ =	shalt  }

</sc_bundles>
